<compile_context>
chip_gen: v7x
topology: tpu7x:2x2x1
jax: 0.10.2.dev20260603
libtpu: 0.0.44.dev20260713+nightly
codegen_flags: <defaults>
</compile_context>

<pallas_src>
import jax, jax.numpy as jnp
from jax import lax
from jax.experimental import pallas as pl
from jax.experimental.pallas import tpu as pltpu
from jax.experimental.pallas import tpu_sc as plsc

_WINDOWS = tuple(16 * j for j in range(12)) + (184,)

def _body(user_h, tuser_h, ouser_h, otuser_h, u_v, ubuf_v):
    c = lax.axis_index("c")
    s = lax.axis_index("s")
    @pl.when(s == 0)
    def _():
        @pl.when(c == 0)
        def _():
            pltpu.sync_copy(user_h, u_v.at[pl.ds(0, 1)])
        @pl.when(c == 1)
        def _():
            pltpu.sync_copy(tuser_h, u_v.at[pl.ds(0, 1)])
        uvec = jnp.full((16,), u_v[pl.ds(0, 16)][0], jnp.int32)
        for off in _WINDOWS:
            ubuf_v[pl.ds(off, 16)] = uvec
        @pl.when(c == 0)
        def _():
            pltpu.sync_copy(ubuf_v, ouser_h)
        @pl.when(c == 1)
        def _():
            pltpu.sync_copy(ubuf_v, otuser_h)

def kernel(user, item, rating, target_user, target_item, target_rating):
    mesh = plsc.VectorSubcoreMesh(core_axis_name="c", subcore_axis_name="s")
    out_type = (jax.ShapeDtypeStruct((200,), jnp.int32),
                jax.ShapeDtypeStruct((200,), jnp.int32))
    run = pl.kernel(_body, out_type=out_type, mesh=mesh,
                    scratch_types=[pltpu.VMEM((16,), jnp.int32),
                                   pltpu.VMEM((200,), jnp.int32)],
                    compiler_params=pltpu.CompilerParams(
                        needs_layout_passes=False))
    uo, tuo = run(user, target_user)
    rating_full = jnp.zeros((1000000,), jnp.float32).at[item].set(rating)
    trating_full = jnp.full((1000000,), jnp.nan, jnp.float32).at[target_item].set(target_rating)
    return (uo, rating_full, tuo, trating_full)

# --- scband reference (transcript-rebuilt; emitter-appended) ---
"""Pipeline reference for scband-flat-input-50208167690450 (READ-ONLY COPY).

The authoritative reference and input builder live on the scoring server;
editing this copy changes nothing except your own understanding.
"""

import jax, jax.numpy as jnp
import numpy as np

DATA_NUM_ITEMS = 1000000
TARGET_NUM_ITEMS = 1000000


def setup_inputs(seed: int = 0) -> dict:
    key = jax.random.key(seed)
    k1, k2, k3, k4, k5, k6 = jax.random.split(key, 6)
    user = jax.random.randint(k1, (1,), 0, 100000)
    item = jax.random.randint(k2, (200,), 0, DATA_NUM_ITEMS)
    rating = jax.random.uniform(k3, (200,), dtype=jnp.float32)
    target_user = jax.random.randint(k4, (1,), 0, 100000)
    target_item = jax.random.randint(k5, (200,), 0, TARGET_NUM_ITEMS)
    target_rating = jax.random.uniform(k6, (200,), dtype=jnp.float32)
    return {
        "user": user,
        "item": item,
        "rating": rating,
        "target_user": target_user,
        "target_item": target_item,
        "target_rating": target_rating,
    }


def reference(user, item, rating, target_user, target_item, target_rating):
    # input['user'] = input['user'].repeat(input['item'].size(0))
    user_out = jnp.repeat(user, item.shape[0])
    # input['target_user'] = input['target_user'].repeat(input['target_item'].size(0))
    target_user_out = jnp.repeat(target_user, target_item.shape[0])
    # rating = torch.zeros(data_num_items); rating[input['item']] = input['rating']
    rating_full = jnp.zeros((DATA_NUM_ITEMS,), dtype=rating.dtype).at[item].set(rating)
    # target_rating = torch.full((target_num_items,), nan); target_rating[target_item] = target_rating_vals
    target_rating_full = jnp.full((TARGET_NUM_ITEMS,), jnp.nan, dtype=target_rating.dtype).at[target_item].set(target_rating)
    # cfg['info'] != 1 path: item_attr / user_profile keys are deleted (not present here)
    return (user_out, rating_full, target_user_out, target_rating_full)

if __name__ == "__main__":
    import jax
    _d = setup_inputs()
    print(jax.jit(kernel)(*tuple(_d.values())))

</pallas_src>

<mosaic_0001>
#map = affine_map<(d0, d1) -> (0)>
module attributes {stable_mosaic.version = 14 : i64} {
  func.func @_body(%arg0: i32, %arg1: i32, %arg2: memref<1xi32, #tpu.memory_space<hbm>>, %arg3: memref<1xi32, #tpu.memory_space<hbm>>, %arg4: memref<200xi32, #tpu.memory_space<hbm>>, %arg5: memref<200xi32, #tpu.memory_space<hbm>>, %arg6: memref<16xi32, #tpu.memory_space<vmem>>, %arg7: memref<200xi32, #tpu.memory_space<vmem>>) attributes {dimension_semantics = [#tpu.dimension_semantics<core_parallel>, #tpu.dimension_semantics<subcore_parallel>], iteration_bounds = array<i64: 2, 16>, scalar_prefetch = 0 : i64, scratch_operands = 2 : i64, tpu.core_type = #tpu.core_type<sc_vector_subcore>, window_params = [{transform_indices = #map}, {transform_indices = #map}, {transform_indices = #map}, {transform_indices = #map}]} {
    %eq3A = arith.constant 0 : i32
    %eq3A_0 = arith.cmpi eq, %arg1, %eq3A : i32
    %convert_element_type3A = arith.extui %eq3A_0 : i1 to i32
    %cond3A = arith.constant 0 : i32
    %cond3A_1 = arith.cmpi ne, %convert_element_type3A, %cond3A : i32
    scf.if %cond3A_1 {
      %eq3A_2 = arith.constant 0 : i32
      %eq3A_3 = arith.cmpi eq, %arg0, %eq3A_2 : i32
      %convert_element_type3A_4 = arith.extui %eq3A_3 : i1 to i32
      %cond3A_5 = arith.constant 0 : i32
      %cond3A_6 = arith.cmpi ne, %convert_element_type3A_4, %cond3A_5 : i32
      scf.if %cond3A_6 {
        "tpu.region"() ({
          %run_scoped3A = tpu.sem_alloc : memref<!tpu.dma_semaphore, #tpu.memory_space<semaphore_mem>>
          %dma_start3A = arith.constant 0 : i32
          %dma_start3A_48 = tpu.memref_slice %arg6[%dma_start3A] : memref<16xi32, #tpu.memory_space<vmem>> -> memref<1xi32, #tpu.memory_space<vmem>>
          %dma_start3A_49 = arith.constant 0 : i32
          %dma_start3A_50 = tpu.memref_slice %arg6[%dma_start3A_49] : memref<16xi32, #tpu.memory_space<vmem>> -> memref<1xi32, #tpu.memory_space<vmem>>
          tpu.enqueue_dma source(%arg2 : memref<1xi32, #tpu.memory_space<hbm>>) target(%dma_start3A_50 : memref<1xi32, #tpu.memory_space<vmem>>) target_semaphore(%run_scoped3A : memref<!tpu.dma_semaphore, #tpu.memory_space<semaphore_mem>>)
          %dma_wait3A = arith.constant 0 : i32
          %dma_wait3A_51 = tpu.memref_slice %arg6[%dma_wait3A] : memref<16xi32, #tpu.memory_space<vmem>> -> memref<1xi32, #tpu.memory_space<vmem>>
          %dma_wait3A_52 = arith.constant 0 : i32
          %dma_wait3A_53 = tpu.memref_slice %arg6[%dma_wait3A_52] : memref<16xi32, #tpu.memory_space<vmem>> -> memref<1xi32, #tpu.memory_space<vmem>>
          tpu.wait_dma2 semaphore(%run_scoped3A : memref<!tpu.dma_semaphore, #tpu.memory_space<semaphore_mem>>) src(%arg2 : memref<1xi32, #tpu.memory_space<hbm>>) dst(%dma_wait3A_53 : memref<1xi32, #tpu.memory_space<vmem>>)
          tpu.yield
        }) : () -> ()
      } else {
      }
      %eq3A_7 = arith.constant 1 : i32
      %eq3A_8 = arith.cmpi eq, %arg0, %eq3A_7 : i32
      %convert_element_type3A_9 = arith.extui %eq3A_8 : i1 to i32
      %cond3A_10 = arith.constant 0 : i32
      %cond3A_11 = arith.cmpi ne, %convert_element_type3A_9, %cond3A_10 : i32
      scf.if %cond3A_11 {
        "tpu.region"() ({
          %run_scoped3A = tpu.sem_alloc : memref<!tpu.dma_semaphore, #tpu.memory_space<semaphore_mem>>
          %dma_start3A = arith.constant 0 : i32
          %dma_start3A_48 = tpu.memref_slice %arg6[%dma_start3A] : memref<16xi32, #tpu.memory_space<vmem>> -> memref<1xi32, #tpu.memory_space<vmem>>
          %dma_start3A_49 = arith.constant 0 : i32
          %dma_start3A_50 = tpu.memref_slice %arg6[%dma_start3A_49] : memref<16xi32, #tpu.memory_space<vmem>> -> memref<1xi32, #tpu.memory_space<vmem>>
          tpu.enqueue_dma source(%arg3 : memref<1xi32, #tpu.memory_space<hbm>>) target(%dma_start3A_50 : memref<1xi32, #tpu.memory_space<vmem>>) target_semaphore(%run_scoped3A : memref<!tpu.dma_semaphore, #tpu.memory_space<semaphore_mem>>)
          %dma_wait3A = arith.constant 0 : i32
          %dma_wait3A_51 = tpu.memref_slice %arg6[%dma_wait3A] : memref<16xi32, #tpu.memory_space<vmem>> -> memref<1xi32, #tpu.memory_space<vmem>>
          %dma_wait3A_52 = arith.constant 0 : i32
          %dma_wait3A_53 = tpu.memref_slice %arg6[%dma_wait3A_52] : memref<16xi32, #tpu.memory_space<vmem>> -> memref<1xi32, #tpu.memory_space<vmem>>
          tpu.wait_dma2 semaphore(%run_scoped3A : memref<!tpu.dma_semaphore, #tpu.memory_space<semaphore_mem>>) src(%arg3 : memref<1xi32, #tpu.memory_space<hbm>>) dst(%dma_wait3A_53 : memref<1xi32, #tpu.memory_space<vmem>>)
          tpu.yield
        }) : () -> ()
      } else {
      }
      %get3A = arith.constant 0 : index
      %get3A_12 = tpu.vector_load %arg6[%get3A] {strides = array<i32>} : memref<16xi32, #tpu.memory_space<vmem>>, vector<16xi32>,
      %slice3A = vector.extract_strided_slice %get3A_12 {offsets = [0], sizes = [1], strides = [1]} : vector<16xi32> to vector<1xi32>
      %squeeze3A = vector.extract %slice3A[0] : i32 from vector<1xi32>
      %broadcast_in_dim3A = vector.broadcast %squeeze3A : i32 to vector<16xi32>
      %swap3A = arith.constant 0 : index
      %swap3A_13 = tpu.vector_load %arg7[%swap3A] {strides = array<i32>} : memref<200xi32, #tpu.memory_space<vmem>>, vector<16xi32>,
      tpu.vector_store %arg7[%swap3A], %broadcast_in_dim3A {strides = array<i32>} : memref<200xi32, #tpu.memory_space<vmem>>, vector<16xi32>,
      %swap3A_14 = arith.constant 16 : index
      %swap3A_15 = tpu.vector_load %arg7[%swap3A_14] {strides = array<i32>} : memref<200xi32, #tpu.memory_space<vmem>>, vector<16xi32>,
      tpu.vector_store %arg7[%swap3A_14], %broadcast_in_dim3A {strides = array<i32>} : memref<200xi32, #tpu.memory_space<vmem>>, vector<16xi32>,
      %swap3A_16 = arith.constant 32 : index
      %swap3A_17 = tpu.vector_load %arg7[%swap3A_16] {strides = array<i32>} : memref<200xi32, #tpu.memory_space<vmem>>, vector<16xi32>,
      tpu.vector_store %arg7[%swap3A_16], %broadcast_in_dim3A {strides = array<i32>} : memref<200xi32, #tpu.memory_space<vmem>>, vector<16xi32>,
      %swap3A_18 = arith.constant 48 : index
      %swap3A_19 = tpu.vector_load %arg7[%swap3A_18] {strides = array<i32>} : memref<200xi32, #tpu.memory_space<vmem>>, vector<16xi32>,
      tpu.vector_store %arg7[%swap3A_18], %broadcast_in_dim3A {strides = array<i32>} : memref<200xi32, #tpu.memory_space<vmem>>, vector<16xi32>,
      %swap3A_20 = arith.constant 64 : index
      %swap3A_21 = tpu.vector_load %arg7[%swap3A_20] {strides = array<i32>} : memref<200xi32, #tpu.memory_space<vmem>>, vector<16xi32>,
      tpu.vector_store %arg7[%swap3A_20], %broadcast_in_dim3A {strides = array<i32>} : memref<200xi32, #tpu.memory_space<vmem>>, vector<16xi32>,
      %swap3A_22 = arith.constant 80 : index
      %swap3A_23 = tpu.vector_load %arg7[%swap3A_22] {strides = array<i32>} : memref<200xi32, #tpu.memory_space<vmem>>, vector<16xi32>,
      tpu.vector_store %arg7[%swap3A_22], %broadcast_in_dim3A {strides = array<i32>} : memref<200xi32, #tpu.memory_space<vmem>>, vector<16xi32>,
      %swap3A_24 = arith.constant 96 : index
      %swap3A_25 = tpu.vector_load %arg7[%swap3A_24] {strides = array<i32>} : memref<200xi32, #tpu.memory_space<vmem>>, vector<16xi32>,
      tpu.vector_store %arg7[%swap3A_24], %broadcast_in_dim3A {strides = array<i32>} : memref<200xi32, #tpu.memory_space<vmem>>, vector<16xi32>,
      %swap3A_26 = arith.constant 112 : index
      %swap3A_27 = tpu.vector_load %arg7[%swap3A_26] {strides = array<i32>} : memref<200xi32, #tpu.memory_space<vmem>>, vector<16xi32>,
      tpu.vector_store %arg7[%swap3A_26], %broadcast_in_dim3A {strides = array<i32>} : memref<200xi32, #tpu.memory_space<vmem>>, vector<16xi32>,
      %swap3A_28 = arith.constant 128 : index
      %swap3A_29 = tpu.vector_load %arg7[%swap3A_28] {strides = array<i32>} : memref<200xi32, #tpu.memory_space<vmem>>, vector<16xi32>,
      tpu.vector_store %arg7[%swap3A_28], %broadcast_in_dim3A {strides = array<i32>} : memref<200xi32, #tpu.memory_space<vmem>>, vector<16xi32>,
      %swap3A_30 = arith.constant 144 : index
      %swap3A_31 = tpu.vector_load %arg7[%swap3A_30] {strides = array<i32>} : memref<200xi32, #tpu.memory_space<vmem>>, vector<16xi32>,
      tpu.vector_store %arg7[%swap3A_30], %broadcast_in_dim3A {strides = array<i32>} : memref<200xi32, #tpu.memory_space<vmem>>, vector<16xi32>,
      %swap3A_32 = arith.constant 160 : index
      %swap3A_33 = tpu.vector_load %arg7[%swap3A_32] {strides = array<i32>} : memref<200xi32, #tpu.memory_space<vmem>>, vector<16xi32>,
      tpu.vector_store %arg7[%swap3A_32], %broadcast_in_dim3A {strides = array<i32>} : memref<200xi32, #tpu.memory_space<vmem>>, vector<16xi32>,
      %swap3A_34 = arith.constant 176 : index
      %swap3A_35 = tpu.vector_load %arg7[%swap3A_34] {strides = array<i32>} : memref<200xi32, #tpu.memory_space<vmem>>, vector<16xi32>,
      tpu.vector_store %arg7[%swap3A_34], %broadcast_in_dim3A {strides = array<i32>} : memref<200xi32, #tpu.memory_space<vmem>>, vector<16xi32>,
      %swap3A_36 = arith.constant 184 : index
      %swap3A_37 = tpu.vector_load %arg7[%swap3A_36] {strides = array<i32>} : memref<200xi32, #tpu.memory_space<vmem>>, vector<16xi32>,
      tpu.vector_store %arg7[%swap3A_36], %broadcast_in_dim3A {strides = array<i32>} : memref<200xi32, #tpu.memory_space<vmem>>, vector<16xi32>,
      %eq3A_38 = arith.constant 0 : i32
      %eq3A_39 = arith.cmpi eq, %arg0, %eq3A_38 : i32
      %convert_element_type3A_40 = arith.extui %eq3A_39 : i1 to i32
      %cond3A_41 = arith.constant 0 : i32
      %cond3A_42 = arith.cmpi ne, %convert_element_type3A_40, %cond3A_41 : i32
      scf.if %cond3A_42 {
        "tpu.region"() ({
          %run_scoped3A = tpu.sem_alloc : memref<!tpu.dma_semaphore, #tpu.memory_space<semaphore_mem>>
          tpu.enqueue_dma source(%arg7 : memref<200xi32, #tpu.memory_space<vmem>>) target(%arg4 : memref<200xi32, #tpu.memory_space<hbm>>) target_semaphore(%run_scoped3A : memref<!tpu.dma_semaphore, #tpu.memory_space<semaphore_mem>>)
          tpu.wait_dma2 semaphore(%run_scoped3A : memref<!tpu.dma_semaphore, #tpu.memory_space<semaphore_mem>>) src(%arg7 : memref<200xi32, #tpu.memory_space<vmem>>) dst(%arg4 : memref<200xi32, #tpu.memory_space<hbm>>)
          tpu.yield
        }) : () -> ()
      } else {
      }
      %eq3A_43 = arith.constant 1 : i32
      %eq3A_44 = arith.cmpi eq, %arg0, %eq3A_43 : i32
      %convert_element_type3A_45 = arith.extui %eq3A_44 : i1 to i32
      %cond3A_46 = arith.constant 0 : i32
      %cond3A_47 = arith.cmpi ne, %convert_element_type3A_45, %cond3A_46 : i32
      scf.if %cond3A_47 {
        "tpu.region"() ({
          %run_scoped3A = tpu.sem_alloc : memref<!tpu.dma_semaphore, #tpu.memory_space<semaphore_mem>>
          tpu.enqueue_dma source(%arg7 : memref<200xi32, #tpu.memory_space<vmem>>) target(%arg5 : memref<200xi32, #tpu.memory_space<hbm>>) target_semaphore(%run_scoped3A : memref<!tpu.dma_semaphore, #tpu.memory_space<semaphore_mem>>)
          tpu.wait_dma2 semaphore(%run_scoped3A : memref<!tpu.dma_semaphore, #tpu.memory_space<semaphore_mem>>) src(%arg7 : memref<200xi32, #tpu.memory_space<vmem>>) dst(%arg5 : memref<200xi32, #tpu.memory_space<hbm>>)
          tpu.yield
        }) : () -> ()
      } else {
      }
    } else {
    }
    return
  }
}

</mosaic_0001>

<sc_bundles>
// kernel: kernel.3.cloned.1.call-start
scs
__scs_entry_jumppad:
0x0: {  	(pc) =	sbr.rel $0x88, $3  }
0x1: {  	(tag) =	ssettag $0x0;
	lr =	simm.s32 $0x1  }
0x2: {  	[smem:$0x3F9B] =	sst lr;
	_ =	strace $0xD0000000  }
0x3: {  	_ = 	snop  }
0x4: {  	_ = 	snop  }
0x5: {  	_ = 	snop  }
0x6: {  	_ = 	snop  }
0x7: {  	_ = 	snop  }
__scs_overlays_trampoline_lowered:
0x8: {  	[smem:$0x3FAA] =	sst s0  }
0x9: {  	[smem:$0x3FAB] =	sst s1  }
0xa: {  	[smem:$0x3FAC] =	sst s2  }
0xb: {  	[smem:$0x3FAD] =	sst s3  }
0xc: {  	[smem:$0x3FAE] =	sst s4  }
0xd: {  	[smem:$0x3FAF] =	sst s5  }
0xe: {  	[smem:$0x3FB0] =	sst s6  }
0xf: {  	[smem:$0x3FB1] =	sst s7  }
0x10: {  	[smem:$0x3FB2] =	sst s8  }
0x11: {  	[smem:$0x3FB3] =	sst s9;
	s0 =	simm.s32 @!p0 $0x0  }
0x12: {  	s1 =	sld [smem:$0x3F99];
	s0 =	simm.s32 @p0 $0x1  }
0x13: {  	[smem:$0x3FB4] =	sst s0;
	s0 =	simm.s32 @!p1 $0x0  }
0x14: {  	s2 =	sld [smem:$0x3F98];
	s0 =	simm.s32 @p1 $0x1  }
0x15: {  	[smem:$0x3FB5] =	sst s0;
	s0 =	simm.s32 @!p2 $0x0  }
0x16: {  	s3 =	sld [smem:$0x3FDB];
	s0 =	simm.s32 @p2 $0x1  }
0x17: {  	s4 =	simm.s32 $0x1BF5;
	[smem:$0x3FB7] =	sst s0  }
0x18: {  	s0 =	sld [smem:$0x3F9A];
	_ =	swait.ge [sflag:s4], $0x0  }
0x19: {  	s7 =	sld [smem:$0x3F9B]  }
0x1a: {  	s8 =	sadd.s32 $0xFFFFE003, lr  }
0x1b: {  	s9 =	sadd.s32 $0xFFFFFEF7, lr;
	s5 =	simm.s32 $0xFFFFFFFF;
	p2 =	slt.u32 s8, $0xFFFFF086  }
0x1c: {  	p1 =	slt.u32 s9, $0xF7A;
	s5 =	simm.s32 @!p2 $0x0  }
0x1d: {  	s5 =	simm.s32 @p1 $0x1;
	p0 =	seq.s32 s7, s2  }
0x1e: {  	s7 =	smul.u32 @!p0 $0xF7A, s2;
	p2 =	seq.s32 @!p0 s5, $0x0  }
0x1f: {  	s9 =	smul.u32 $0xF7A, s1;
	s8 =	simm.s32 @!p0 $0x1BF5;
	p2 =	por !p2, p0  }
0x20: {  	[sflag:s8] =	ssyncset.s32 @!p0 $0xFFFFF086;
	s6 =	sadd.s32 @!p0 s3, s7;
	s7 =	simm.s32 @!p0 $0x108  }
0x21: {  	s3 =	sadd.s32 s3, s9;
	s6 =	sadd.s32 @!p0 $0x88, s6;
	s7 =	simm.s32 @p2 $0x1082  }
0x22: {  	[simem:s7], [sflag:s8] =	dma.local @!p0 [hbm:s6], $0xF7A  }
0x23: {  	s9 =	sor.u32 $0xD0000000, s2;
	s6 =	simm.s32 $0x108;
	_ =	swait.ge @!p0 [sflag:s8], $0x0  }
0x24: {  	s3 =	sadd.s32 $0x88, s3;
	s6 =	simm.s32 @!p1 $0x1082;
	[sflag:s4] =	ssyncset.s32 $0xFFFFF086  }
0x25: {  	[simem:s6], [sflag:s4] =	dma.local [hbm:s3], $0xF7A  }
0x26: {  	[smem:$0x3F9B] =	sst s1;
	(tag) =	ssettag s2;
	_ =	strace s9  }
0x27: {  	s1 =	sld [smem:$0x3FAB]  }
0x28: {  	s2 =	sld [smem:$0x3FAC]  }
0x29: {  	s4 =	sld [smem:$0x3FAE]  }
0x2a: {  	p0 =	seq.s32 s5, $0x0;
	s5 =	sld [smem:$0x3FAF]  }
0x2b: {  	s6 =	sld [smem:$0x3FB0]  }
0x2c: {  	s7 =	sld [smem:$0x3FB1]  }
0x2d: {  	s3 =	simm.s32 $0x108;
	s8 =	sld [smem:$0x3FB2]  }
0x2e: {  	s3 =	simm.s32 @!p0 $0x1082;
	s9 =	sld [smem:$0x3FB3]  }
0x2f: {  	lr =	sadd.s32 s0, s3;
	s0 =	sld [smem:$0x3FAA]  }
0x30: {  	s3 =	sld [smem:$0x3FAD]  }
0x31: {  	[smem:$0x3FB6] =	sst s10  }
0x32: {  	s10 =	sld [smem:$0x3FB4];
	_ =	sdelay $0x3  }
0x33: {  	p0 =	seq.s32 s10, $0x1;
	s10 =	sld [smem:$0x3FB6];
	_ =	sdelay $0x3  }
0x34: {  	[smem:$0x3FB6] =	sst s10  }
0x35: {  	s10 =	sld [smem:$0x3FB5];
	_ =	sdelay $0x3  }
0x36: {  	p1 =	seq.s32 s10, $0x1;
	s10 =	sld [smem:$0x3FB6];
	_ =	sdelay $0x3  }
0x37: {  	[smem:$0x3FB6] =	sst s10  }
0x38: {  	s10 =	sld [smem:$0x3FB7]  }
0x39: {  	_ = 	snop;
	(pc) =	sbr.ind lr, $3  }
0x3a: {  	_ = 	snop  }
0x3b: {  	_ = 	snop  }
0x3c: {  	p2 =	seq.s32 s10, $0x1;
	s10 =	sld [smem:$0x3FB6]  }
0x3d: {  	_ =	shalt  }
0x3e: {  	_ =	shalt  }
0x3f: {  	_ =	shalt  }
0x40: {  	_ =	shalt  }
0x41: {  	_ =	shalt  }
0x42: {  	_ =	shalt  }
0x43: {  	_ =	shalt  }
0x44: {  	_ =	shalt  }
0x45: {  	_ =	shalt  }
0x46: {  	_ =	shalt  }
0x47: {  	_ =	shalt  }
0x48: {  	_ =	shalt  }
0x49: {  	_ =	shalt  }
0x4a: {  	_ =	shalt  }
0x4b: {  	_ =	shalt  }
0x4c: {  	_ =	shalt  }
0x4d: {  	_ =	shalt  }
0x4e: {  	_ =	shalt  }
0x4f: {  	_ =	shalt  }
0x50: {  	_ =	shalt  }
0x51: {  	_ =	shalt  }
0x52: {  	_ =	shalt  }
0x53: {  	_ =	shalt  }
0x54: {  	_ =	shalt  }
0x55: {  	_ =	shalt  }
0x56: {  	_ =	shalt  }
0x57: {  	_ =	shalt  }
0x58: {  	_ =	shalt  }
0x59: {  	_ =	shalt  }
0x5a: {  	_ =	shalt  }
0x5b: {  	_ =	shalt  }
0x5c: {  	_ =	shalt  }
0x5d: {  	_ =	shalt  }
0x5e: {  	_ =	shalt  }
0x5f: {  	_ =	shalt  }
0x60: {  	_ =	shalt  }
0x61: {  	_ =	shalt  }
0x62: {  	_ =	shalt  }
0x63: {  	_ =	shalt  }
0x64: {  	_ =	shalt  }
0x65: {  	_ =	shalt  }
0x66: {  	_ =	shalt  }
0x67: {  	_ =	shalt  }
0x68: {  	_ =	shalt  }
0x69: {  	_ =	shalt  }
0x6a: {  	_ =	shalt  }
0x6b: {  	_ =	shalt  }
0x6c: {  	_ =	shalt  }
0x6d: {  	_ =	shalt  }
0x6e: {  	_ =	shalt  }
0x6f: {  	_ =	shalt  }
0x70: {  	_ =	shalt  }
0x71: {  	_ =	shalt  }
0x72: {  	_ =	shalt  }
0x73: {  	_ =	shalt  }
0x74: {  	_ =	shalt  }
0x75: {  	_ =	shalt  }
0x76: {  	_ =	shalt  }
0x77: {  	_ =	shalt  }
0x78: {  	_ =	shalt  }
0x79: {  	_ =	shalt  }
0x7a: {  	_ =	shalt  }
0x7b: {  	_ =	shalt  }
0x7c: {  	_ =	shalt  }
0x7d: {  	_ =	shalt  }
0x7e: {  	_ =	shalt  }
0x7f: {  	_ =	shalt  }
0x80: {  	_ =	shalt  }
0x81: {  	_ =	shalt  }
0x82: {  	_ =	shalt  }
0x83: {  	_ =	shalt  }
0x84: {  	_ =	shalt  }
0x85: {  	_ =	shalt  }
0x86: {  	_ =	shalt  }
0x87: {  	_ =	shalt  }
.Lfunc_end0:
.L_simem_size_0:
called_computation_lowered:
.L_overlay_start_0:
0x88: {  	s2 =	sld [smem:$0x3FD9]  }
0x89: {  	s3 =	sld [smem:$0x3FFE];
	_ =	sdelay $0x1  }
0x8a: {  	s1 =	srdreg.scid  }
0x8b: {  	s0 =	sand.u32 $0x1, s1  }
0x8c: {  	s15 =	sshll.u32 s0, $0xA;
	s2 =	sadd.s32 s3, s2  }
0x8d: {  	s2 =	sadd.s32 s2, s15  }
0x8e: {  	[smem:$0x3FC2] =	sst s2  }
0x8f: {  	_ = 	snop  }
0x90: {  	s2 =	sld [smem:$0x3FD0];
	_ =	sdelay $0x1  }
0x91: {  	s16 =	sld [smem:$0x3FC9]  }
0x92: {  	s5 =	simm.s32 $0xA;
	s6 =	simm.s32 $0x10;
	s4 =	sld [smem:$0x3FC6]  }
0x93: {  	[smem:s6], [sflag:s5] =	dma.local [hbm:s2], $0x1  }
0x94: {  	_ =	swait.eq [sflag:s5], $0x1  }
0x95: {  	[sflag:s5] =	ssyncset.done $0x0  }
0x96: {  	s17 =	sld [smem:$0x10];
	[sflag:s5] =	ssyncadd.s32 $0xFFFFFFFF  }
0x97: {  	s18 =	sld [smem:$0x12];
	(tm) =	ssettm $0x1  }
0x98: {  	s19 =	sld [smem:$0x3FFB];
	_ =	sdelay $0x3  }
0x99: {  	_ =	strace s19  }
0x9a: {  	s6 =	sld [smem:$0x3FFC];
	_ =	sdelay $0x3  }
0x9b: {  	_ =	strace s6  }
0x9c: {  	s6 =	sld [smem:$0x3FFD];
	_ =	sdelay $0x3  }
0x9d: {  	_ =	strace s6  }
0x9e: {  	_ =	strace $0x8FFFFFFF  }
0x9f: {  	s20 =	sld [smem:$0x3FDB];
	_ =	sdelay $0x1  }
0xa0: {  	s7 =	simm.s32 $_scs_section_size  }
0xa1: {  	s8 =	simm.s32 $_size__tile_overlayer_lowered;
	s9 =	simm.s32 $_tile_overlayer_lowered  }
0xa2: {  	s23 =	simm.s32 $0x1BFF;
	s22 =	sshll.u32 s9, $0x1;
	s6 =	sadd.s32 s7, s20  }
0xa3: {  	s10 =	simm.s32 $0x0;
	s21 =	sshll.u32 s8, $0x1;
	s8 =	sadd.s32 s22, s6  }
0xa4: {  	[timem:s10], [sflag:s23] =	dma.local [hbm:s8], s21  }
0xa5: {  	_ =	swait.ge [sflag:s23], s21  }
0xa6: {  	s7 =	ssub.s32 $0x0, s21;
	[sflag:s23] =	ssyncset.done $0x0  }
0xa7: {  	[sflag:s23] =	ssyncadd.s32 s7;
	_ =	sdelay $0x1  }
0xa8: {  	s24 =	simm.s32 $0x1B8B  }
0xa9: {  	_ =	swait.ge [sflag:s24], $0x1  }
0xaa: {  	[sflag:s24] =	ssyncset.done $0x0  }
0xab: {  	s25 =	simm.s32 $0x1B8E;
	[sflag:s24] =	ssyncadd.s32 $0xFFFFFFFF  }
0xac: {  	s26 =	simm.s32 $execute0_lowered;
	[smem:$0x3FD2] =	sst s25  }
0xad: {  	s7 =	sshll.u32 s26, $0x1;
	_ =	strace $0x80000046;
	[dreg:$0x1] =	wrdreg $0xFFFFFFFF  }
0xae: {  	s28 =	simm.s32 $_size_execute0_lowered;
	s6 =	sadd.s32 s6, s7;
	[dreg:$0x0] =	wrdreg $0x0  }
0xaf: {  	s7 =	sshll.u32 s28, $0x1;
	[dreg:$0x2] =	wrdreg s6  }
0xb0: {  	[dreg:$0x3] =	wrdreg s7  }
0xb1: {  	[dreg:$0x4] =	wrdreg $0xC0  }
0xb2: {  	_ =	task [dreg:s10], $0x5FFFF  }
0xb3: {  	[dreg:$0x1] =	wrdreg $0xFFFFFFFF  }
0xb4: {  	[dreg:$0x0] =	wrdreg $0x60  }
0xb5: {  	[dreg:$0x2] =	wrdreg s16  }
0xb6: {  	[dreg:$0x3] =	wrdreg s4  }
0xb7: {  	[dreg:$0x4] =	wrdreg s17  }
0xb8: {  	[dreg:$0x5] =	wrdreg s18  }
0xb9: {  	[dreg:$0x6] =	wrdreg $0x9  }
0xba: {  	_ =	task.clear_ibuf [dreg:s10], $0x7FFFF;
	_ =	strace $0x90000046  }
0xbb: {  	s29 =	simm.s32 $0x9;
	_ =	strace $0x80000048  }
0xbc: {  	_ =	swait.ge [sflag:s29], $0x1  }
0xbd: {  	[sflag:s29] =	ssyncadd.s32 $0xFFFFFFFF  }
0xbe: {  	_ =	strace $0x90000048  }
0xbf: {  	_ =	sfence  }
0xc0: {  	s30 =	sld [smem:$0x0];
	_ =	sdelay $0x2  }
0xc1: {  	s31 =	sshll.u32 s1, $0xD;
	s1 =	sshrl.u32 s1, $0x2  }
0xc2: {  	s3 =	sand.u32 $0x4000, s31;
	s1 =	sadd.s32 s1, s30  }
0xc3: {  	s0 =	sor.u32 s3, s0;
	s1 =	sshll.u32 s1, $0x11  }
0xc4: {  	s0 =	sor.u32 s1, s0  }
0xc5: {  	s0 =	sadd.s32 $0x8F2B, s0  }
0xc6: {  	[sflag:s0] =	ssyncadd.remote.s32 $0x1  }
0xc7: {  	_ =	sfence.sel $0xFFFF  }
0xc8: {  	[dreg:$0x0] =	wrdreg $0xFFFFFFFF;
	(pc) =	sbr.abs _section_cstart, $3  }
0xc9: {  	[dreg:$0x1] =	wrdreg $0xFFFFFFFF  }
0xca: {  	_ =	task.clear_ibuf [dreg:s10], $0x2FFFF;
	_ =	strace $0x9FFFFFFF  }
0xcb: {  	(tm) =	ssettm $0x7FFFFFFF  }
tec
execute0_lowered:
.L_overlay_start_1:
0x0: {  	(tag) =	ssettag $0x1  }
0x1: {  	s4 =	stileid.u32  }
0x2: {  	p0 =	sne.s32 s4, $0x0  }
.Ltmp0:
0x3: {  	s3 =	rddreg [dreg:$0x0];
	(pc) =	sbr.rel @p0 .LBB2_4-.Ltmp0, $4  }
0x4: {  	s2 =	rddreg [dreg:$0x1]  }
0x5: {  	s5 =	rddreg [dreg:$0x2]  }
0x6: {  	s1 =	rddreg [dreg:$0x3]  }
0x7: {  	s0 =	rddreg [dreg:$0x4];
	_ =	strace $0x80000047  }
0x8: {  	s4 =	srdreg.scid  }
0x9: {  	s6 =	sand.u32 $0x1, s4  }
0xa: {  	p1 =	seq.s32 s6, $0x0  }
0xb: {  	s4 =	simm.s32 $0x0;
	s2 =	smov.u32 @p1 s3;
	s3 =	simm.s32 $0x1  }
0xc: {  	[tilespmem:s4], [sflag:$0x1] =	stream.linear.gather [hbm4b:s2+s4], $0x1, $0x38;
	[tilespmem:$0x180] =	vst v63  }
0xd: {  	_ =	swait.ge [sflag:s3], $0x1  }
0xe: {  	[sflag:s3] =	ssyncset.done $0x0  }
0xf: {  	[sflag:s3] =	ssyncadd.s32 $0xFFFFFFFF  }
0x10: {  	s6 =	ssub.s32 $0x2, s6;
	v0 =	vld.msk [tilespmem:$0x0 ss:$0x0], $0xffff  }
0x11: {  	s7 =	sshrl.u32 s6, $0x1  }
0x12: {  	s6 =	ssub.s32 s6, s7  }
0x13: {  	s6 =	smax.u32 s6, $0x1  }
0x14: {  	p2 =	sne.s32 s6, $0x1  }
.Ltmp1:
0x15: {  	[tilespmem:$0x120] =	vst v0;
	(pc) =	sbr.rel @!p2 .LBB2_3-.Ltmp1, $4  }
0x16: {  	[tilespmem:$0x110] =	vst v0  }
0x17: {  	[tilespmem:$0x100] =	vst v0  }
0x18: {  	[tilespmem:$0xF0] =	vst v0  }
0x19: {  	s1 =	smov.u32 @p1 s5;
	s5 =	simm.s32 $0x80;
	s6 =	sadd.s32 $0xFFFFFFFF, s6;
	[tilespmem:$0xE0] =	vst v0  }
.LBB2_2:
0x1a: {  	p1 =	sne.s32 s6, $0x1;
	s6 =	sadd.s32 $0xFFFFFFFF, s6;
	[tilespmem:$0xD0] =	vst v0  }
0x1b: {  	[tilespmem:$0xC0] =	vst v0  }
0x1c: {  	[tilespmem:$0xB0] =	vst v0  }
0x1d: {  	[tilespmem:$0xA0] =	vst v0  }
0x1e: {  	[tilespmem:$0x90] =	vst v0  }
0x1f: {  	[tilespmem:$0x130] =	vst v0  }
0x20: {  	[tilespmem:$0x138] =	vst v0  }
0x21: {  	[tilespmem:$0x80] =	vst v0  }
0x22: {  	[hbm4b:s1+s4] =	stream.linear.scatter [tilespmem:s5], [sflag:$0x1], $0x100, $0x38;
	[tilespmem:$0x180] =	vst v63  }
0x23: {  	_ =	swait.ge [sflag:s3], $0x100  }
0x24: {  	[sflag:s3] =	ssyncset.done $0x0  }
0x25: {  	[sflag:s3] =	ssyncadd.s32 $0xFFFFFF00  }
0x26: {  	[tilespmem:s4], [sflag:$0x1] =	stream.linear.gather [hbm4b:s2+s4], $0x1, $0x38;
	[tilespmem:$0x180] =	vst v63  }
0x27: {  	_ =	swait.ge [sflag:s3], $0x1  }
0x28: {  	[sflag:s3] =	ssyncset.done $0x0  }
0x29: {  	[sflag:s3] =	ssyncadd.s32 $0xFFFFFFFF  }
0x2a: {  	v0 =	vld.msk [tilespmem:$0x0 ss:$0x0], $0xffff;
	_ =	sdelay $0x5  }
.Ltmp2:
0x2b: {  	[tilespmem:$0x120] =	vst v0;
	(pc) =	sbr.rel @p1 .LBB2_2-.Ltmp2, $4  }
0x2c: {  	[tilespmem:$0x110] =	vst v0  }
0x2d: {  	[tilespmem:$0x100] =	vst v0  }
0x2e: {  	[tilespmem:$0xF0] =	vst v0  }
0x2f: {  	[tilespmem:$0xE0] =	vst v0  }
.LBB2_3:
0x30: {  	[tilespmem:$0xD0] =	vst v0  }
0x31: {  	[tilespmem:$0xC0] =	vst v0  }
0x32: {  	[tilespmem:$0xB0] =	vst v0  }
0x33: {  	[tilespmem:$0xA0] =	vst v0  }
0x34: {  	[tilespmem:$0x90] =	vst v0  }
0x35: {  	[tilespmem:$0x130] =	vst v0  }
0x36: {  	[tilespmem:$0x80] =	vst v0  }
0x37: {  	[tilespmem:$0x138] =	vst v0  }
0x38: {  	[hbm4b:s1+s4] =	stream.linear.scatter [tilespmem:s5], [sflag:$0x1], $0x100, $0x38;
	[tilespmem:$0x180] =	vst v63  }
0x39: {  	_ =	swait.ge [sflag:s3], $0x100  }
0x3a: {  	[sflag:s3] =	ssyncset.done $0x0  }
0x3b: {  	[sflag:s3] =	ssyncadd.s32 $0xFFFFFF00  }
.LBB2_4:
0x3c: {  	_ =	sfence.sel $0x180000  }
0x3d: {  	[bflag:$0x0] =	sbarrier.arrive $0xFFFF  }
0x3e: {  	_ =	strace $0x90000047  }
0x3f: {  	s0 =	sadd.s32 @!p0 $0x100000, s0;
	[bflag:$0x2] =	sbarrier.arrive $0xFFFF  }
0x40: {  	[sflag:s0] =	ssyncadd.tile.s32 @!p0 $0x1;
	_ =	shalt  }
.Lfunc_end2:
_tile_overlayer_lowered:
.L_overlay_start_2:
0x41: {  	(tag) =	ssettag $0x2  }
0x42: {  	s0 =	rddreg [dreg:$0x0];
	s2 =	stileid.u32  }
0x43: {  	s1 =	rddreg [dreg:$0x1];
	p0 =	sne.s32 s2, $0x0  }
0x44: {  	s3 =	rddreg [dreg:$0x2];
	[bflag:$0x3] =	sbarrier.arrive $0xFFFF;
	s2 =	simm.s32 @!p0 $0x1C01  }
0x45: {  	[timem:s3], [sflag:s2] =	dma.local @!p0 [hbm:s0], s1  }
0x46: {  	s0 =	simm.s32 @!p0 $0x1  }
0x47: {  	_ =	swait.ge @!p0 [sflag:s0], s1  }
0x48: {  	s1 =	ssub.s32 @!p0 $0x0, s1;
	[sflag:s0] =	ssyncset.done @!p0 $0x0  }
0x49: {  	[sflag:s0] =	ssyncadd.s32 @!p0 s1  }
0x4a: {  	[bflag:$0x3] =	sbarrier.arrive $0xFFFF  }
0x4b: {  	_ =	shalt  }

</sc_bundles>
